<compile_context>
chip_gen: v7x
topology: tpu7x:2x2x1
jax: 0.10.2.dev20260603
libtpu: 0.0.44.dev20260713+nightly
codegen_flags: <defaults>
</compile_context>

<pallas_src>
import jax
import jax.numpy as jnp
from jax.experimental import pallas as pl


def _dot_t(a, b):
    return jax.lax.dot_general(
        a, b, dimension_numbers=(((0,), (0,)), ((), ())),
        preferred_element_type=jnp.float32)


def _body(x_ref, aux_ref, wx_ref, waux_ref, o_ref):
    acc = _dot_t(x_ref[0], wx_ref[0])
    acc = acc + _dot_t(x_ref[1], wx_ref[1])
    acc = acc + _dot_t(aux_ref[...], waux_ref[...])
    o_ref[...] = acc


def kernel(x, node_attr_data, trainable_data, node_attr_hidden, trainable_hidden,
           edge_attr, W_data, b_data, W_hidden, b_hidden, W_edge,
           Wq, Wk, Wv, Wo, W_mlp1, W_mlp2, ln1_g, ln1_b, ln2_g, ln2_b,
           edge_index):
    B, T, Ens, G, V = x.shape
    D = W_data.shape[1]
    NA = node_attr_data.shape[1]
    TR = trainable_data.shape[1]

    xt = jnp.transpose(x.reshape(T, G, V), (0, 2, 1))
    Wx = W_data[:T * V].reshape(T, V, D)

    KA = NA + TR + 1
    aux = jnp.concatenate(
        [node_attr_data, trainable_data,
         jnp.ones((G, 1), jnp.float32),
         jnp.zeros((G, 16 - KA), jnp.float32)], axis=1).T
    Waux = jnp.concatenate(
        [W_data[T * V:], b_data.reshape(1, D),
         jnp.zeros((16 - KA, D), jnp.float32)], axis=0)

    BM = 2048
    grid = (pl.cdiv(G, BM),)

    return pl.pallas_call(
        _body,
        grid=grid,
        in_specs=[
            pl.BlockSpec((T, V, BM), lambda i: (0, 0, i)),
            pl.BlockSpec((16, BM), lambda i: (0, i)),
            pl.BlockSpec((T, V, D), lambda i: (0, 0, 0)),
            pl.BlockSpec((16, D), lambda i: (0, 0)),
        ],
        out_specs=pl.BlockSpec((BM, D), lambda i: (i, 0)),
        out_shape=jax.ShapeDtypeStruct((G, D), jnp.float32),
    )(xt, aux, Wx, Waux)

# --- scband reference (transcript-rebuilt; emitter-appended) ---
"""Pipeline reference for scband-aifscomplete-encoder-36541581754933 (READ-ONLY COPY).

The authoritative reference and input builder live on the scoring server;
editing this copy changes nothing except your own understanding.
"""

import jax, jax.numpy as jnp
import numpy as np

G = 50000      # data grid nodes
H = 10000      # hidden mesh nodes
E = 160000     # data->hidden edges
D = 256        # encoder channels
HEADS = 8
DH = D // HEADS
T = 2          # time steps
V = 90         # variables
NA = 4         # latlon sin/cos node attrs
TR = 8         # trainable tensor size
ED = 3         # edge attr dim


def _layer_norm(h, g, b):
    mu = jnp.mean(h, axis=-1, keepdims=True)
    var = jnp.var(h, axis=-1, keepdims=True)
    return (h - mu) / jnp.sqrt(var + 1e-5) * g + b


def setup_inputs(seed: int = 0) -> dict:
    key = jax.random.key(seed)
    ks = jax.random.split(key, 24)
    x = jax.random.normal(ks[0], (1, T, 1, G, V), dtype=jnp.float32)
    node_attr_data = jax.random.normal(ks[1], (G, NA), dtype=jnp.float32)
    trainable_data = 0.02 * jax.random.normal(ks[2], (G, TR), dtype=jnp.float32)
    node_attr_hidden = jax.random.normal(ks[3], (H, NA), dtype=jnp.float32)
    trainable_hidden = 0.02 * jax.random.normal(ks[4], (H, TR), dtype=jnp.float32)
    edge_attr = jax.random.normal(ks[5], (E, ED), dtype=jnp.float32)
    src = jax.random.randint(ks[6], (E,), 0, G, dtype=jnp.int32)
    dst = jax.random.randint(ks[7], (E,), 0, H, dtype=jnp.int32)
    edge_index = jnp.stack([src, dst], axis=0)
    din_data = T * V + NA + TR
    din_hidden = NA + TR
    s = 0.05
    return {
        'x': x,
        'node_attr_data': node_attr_data,
        'trainable_data': trainable_data,
        'node_attr_hidden': node_attr_hidden,
        'trainable_hidden': trainable_hidden,
        'edge_attr': edge_attr,
        'W_data': s * jax.random.normal(ks[8], (din_data, D), dtype=jnp.float32),
        'b_data': jnp.zeros((D,), dtype=jnp.float32),
        'W_hidden': s * jax.random.normal(ks[9], (din_hidden, D), dtype=jnp.float32),
        'b_hidden': jnp.zeros((D,), dtype=jnp.float32),
        'W_edge': s * jax.random.normal(ks[10], (ED, D), dtype=jnp.float32),
        'Wq': s * jax.random.normal(ks[11], (D, D), dtype=jnp.float32),
        'Wk': s * jax.random.normal(ks[12], (D, D), dtype=jnp.float32),
        'Wv': s * jax.random.normal(ks[13], (D, D), dtype=jnp.float32),
        'Wo': s * jax.random.normal(ks[14], (D, D), dtype=jnp.float32),
        'W_mlp1': s * jax.random.normal(ks[15], (D, 4 * D), dtype=jnp.float32),
        'W_mlp2': s * jax.random.normal(ks[16], (4 * D, D), dtype=jnp.float32),
        'ln1_g': jnp.ones((D,), dtype=jnp.float32),
        'ln1_b': jnp.zeros((D,), dtype=jnp.float32),
        'ln2_g': jnp.ones((D,), dtype=jnp.float32),
        'ln2_b': jnp.zeros((D,), dtype=jnp.float32),
        'edge_index': edge_index,
    }


def reference(x, node_attr_data, trainable_data, node_attr_hidden, trainable_hidden,
              edge_attr, W_data, b_data, W_hidden, b_hidden, W_edge,
              Wq, Wk, Wv, Wo, W_mlp1, W_mlp2, ln1_g, ln1_b, ln2_g, ln2_b,
              edge_index):
    B, Tt, Ens, Gn, Vv = x.shape
    # einops: 'batch time ensemble grid vars -> (batch ensemble grid) (time vars)'
    x_flat = jnp.transpose(x, (0, 2, 3, 1, 4)).reshape(B * Ens * Gn, Tt * Vv)
    # TrainableTensor: cat(latlon attrs, trainable params)
    x_data_latent = jnp.concatenate([x_flat, node_attr_data, trainable_data], axis=-1)
    x_hidden_latent = jnp.concatenate([node_attr_hidden, trainable_hidden], axis=-1)
    # GraphTransformerForwardMapper: node embeddings
    h_data = x_data_latent @ W_data + b_data
    h_hidden = x_hidden_latent @ W_hidden + b_hidden
    e = edge_attr @ W_edge
    src = edge_index[0]
    dst = edge_index[1]
    # graph transformer conv (data -> hidden), multi-head edge attention
    q = (h_hidden @ Wq)[dst].reshape(-1, HEADS, DH)
    k = ((h_data @ Wk)[src] + e).reshape(-1, HEADS, DH)
    v = ((h_data @ Wv)[src] + e).reshape(-1, HEADS, DH)
    scores = jnp.sum(q * k, axis=-1) / np.sqrt(DH)
    m = jax.ops.segment_max(scores, dst, num_segments=H)
    m = jnp.where(jnp.isfinite(m), m, 0.0)
    ex = jnp.exp(scores - m[dst])
    denom = jax.ops.segment_sum(ex, dst, num_segments=H)
    alpha = ex / (denom[dst] + 1e-9)
    agg = jax.ops.segment_sum((alpha[..., None] * v).reshape(-1, D), dst, num_segments=H)
    h_hidden2 = _layer_norm(h_hidden + agg @ Wo, ln1_g, ln1_b)
    hidden_embeddings = _layer_norm(h_hidden2 + jax.nn.gelu(h_hidden2 @ W_mlp1) @ W_mlp2, ln2_g, ln2_b)
    data_embeddings = h_data
    # AIFSCompleteEncoder.forward returns the data embeddings only
    return data_embeddings

if __name__ == "__main__":
    import jax
    _d = setup_inputs()
    print(jax.jit(kernel)(*tuple(_d.values())))

</pallas_src>

<mosaic_0001>
module attributes {stable_mosaic.version = 14 : i64} {
  func.func @_body(%arg0: i32, %arg1: memref<2x90x2048xf32, #tpu.memory_space<vmem>>, %arg2: memref<16x2048xf32, #tpu.memory_space<vmem>>, %arg3: memref<2x90x256xf32, #tpu.memory_space<vmem>>, %arg4: memref<16x256xf32, #tpu.memory_space<vmem>>, %arg5: memref<2048x256xf32, #tpu.memory_space<vmem>>) attributes {dimension_semantics = [#tpu.dimension_semantics<arbitrary>], iteration_bounds = array<i64: 25>, scalar_prefetch = 0 : i64, scratch_operands = 0 : i64, tpu.core_type = #tpu.core_type<tc>, window_params = [{transform_indices = @transform_0, window_bounds = array<i64: 2, 90, 2048>}, {transform_indices = @transform_1, window_bounds = array<i64: 16, 2048>}, {pipeline_mode = #tpu.pipeline_mode<synchronous>, transform_indices = @transform_2, window_bounds = array<i64: 2, 90, 256>}, {pipeline_mode = #tpu.pipeline_mode<synchronous>, transform_indices = @transform_3, window_bounds = array<i64: 16, 256>}, {transform_indices = @transform_4, window_bounds = array<i64: 2048, 256>}]} {
    %get3A = arith.constant 0 : index
    %get3A_0 = arith.constant 0 : index
    %get3A_1 = arith.constant 0 : index
    %get3A_2 = vector.load %arg1[%get3A, %get3A_0, %get3A_1] : memref<2x90x2048xf32, #tpu.memory_space<vmem>>, vector<1x90x2048xf32>
    %get3A_3 = vector.shape_cast %get3A_2 : vector<1x90x2048xf32> to vector<90x2048xf32>
    %get3A_4 = arith.constant 0 : index
    %get3A_5 = arith.constant 0 : index
    %get3A_6 = arith.constant 0 : index
    %get3A_7 = vector.load %arg3[%get3A_4, %get3A_5, %get3A_6] : memref<2x90x256xf32, #tpu.memory_space<vmem>>, vector<1x90x256xf32>
    %get3A_8 = vector.shape_cast %get3A_7 : vector<1x90x256xf32> to vector<90x256xf32>
    %dot_general3A = arith.constant dense<0.000000e+00> : vector<2048x256xf32>
    %dot_general3A_9 = tpu.matmul %get3A_3, %get3A_8, %dot_general3A {dimension_numbers = #tpu.dot_dimension_numbers<[0], [0], [1], [1], [0, 1, 1, 1], [], []>, transpose_lhs_hint = false} : vector<90x2048xf32>, vector<90x256xf32>, vector<2048x256xf32> -> vector<2048x256xf32>
    %get3A_10 = arith.constant 1 : index
    %get3A_11 = arith.constant 0 : index
    %get3A_12 = arith.constant 0 : index
    %get3A_13 = vector.load %arg1[%get3A_10, %get3A_11, %get3A_12] : memref<2x90x2048xf32, #tpu.memory_space<vmem>>, vector<1x90x2048xf32>
    %get3A_14 = vector.shape_cast %get3A_13 : vector<1x90x2048xf32> to vector<90x2048xf32>
    %get3A_15 = arith.constant 1 : index
    %get3A_16 = arith.constant 0 : index
    %get3A_17 = arith.constant 0 : index
    %get3A_18 = vector.load %arg3[%get3A_15, %get3A_16, %get3A_17] : memref<2x90x256xf32, #tpu.memory_space<vmem>>, vector<1x90x256xf32>
    %get3A_19 = vector.shape_cast %get3A_18 : vector<1x90x256xf32> to vector<90x256xf32>
    %dot_general3A_20 = arith.constant dense<0.000000e+00> : vector<2048x256xf32>
    %dot_general3A_21 = tpu.matmul %get3A_14, %get3A_19, %dot_general3A_20 {dimension_numbers = #tpu.dot_dimension_numbers<[0], [0], [1], [1], [0, 1, 1, 1], [], []>, transpose_lhs_hint = false} : vector<90x2048xf32>, vector<90x256xf32>, vector<2048x256xf32> -> vector<2048x256xf32>
    %add3A = arith.addf %dot_general3A_9, %dot_general3A_21 : vector<2048x256xf32>
    %get3A_22 = arith.constant 0 : index
    %get3A_23 = arith.constant 0 : index
    %get3A_24 = vector.load %arg2[%get3A_22, %get3A_23] : memref<16x2048xf32, #tpu.memory_space<vmem>>, vector<16x2048xf32>
    %get3A_25 = arith.constant 0 : index
    %get3A_26 = arith.constant 0 : index
    %get3A_27 = vector.load %arg4[%get3A_25, %get3A_26] : memref<16x256xf32, #tpu.memory_space<vmem>>, vector<16x256xf32>
    %dot_general3A_28 = arith.constant dense<0.000000e+00> : vector<2048x256xf32>
    %dot_general3A_29 = tpu.matmul %get3A_24, %get3A_27, %dot_general3A_28 {dimension_numbers = #tpu.dot_dimension_numbers<[0], [0], [1], [1], [0, 1, 1, 1], [], []>, transpose_lhs_hint = false} : vector<16x2048xf32>, vector<16x256xf32>, vector<2048x256xf32> -> vector<2048x256xf32>
    %add3A_30 = arith.addf %add3A, %dot_general3A_29 : vector<2048x256xf32>
    %swap3A = arith.constant 0 : index
    %swap3A_31 = arith.constant 0 : index
    %swap3A_32 = vector.load %arg5[%swap3A, %swap3A_31] : memref<2048x256xf32, #tpu.memory_space<vmem>>, vector<2048x256xf32>
    tpu.vector_store %arg5[%swap3A, %swap3A_31], %add3A_30 {strides = array<i32>} : memref<2048x256xf32, #tpu.memory_space<vmem>>, vector<2048x256xf32>,
    return
  }
  func.func @transform_0(%arg0: i32) -> (i32, i32, i32) {
    %c0_i32 = arith.constant 0 : i32
    %c0_i32_0 = arith.constant 0 : i32
    %c0_i32_1 = arith.constant 0 : i32
    return %c0_i32, %c0_i32_0, %arg0 : i32, i32, i32
  }
  func.func @transform_1(%arg0: i32) -> (i32, i32) {
    %c0_i32 = arith.constant 0 : i32
    %c0_i32_0 = arith.constant 0 : i32
    return %c0_i32, %arg0 : i32, i32
  }
  func.func @transform_2(%arg0: i32) -> (i32, i32, i32) {
    %c0_i32 = arith.constant 0 : i32
    %c0_i32_0 = arith.constant 0 : i32
    %c0_i32_1 = arith.constant 0 : i32
    %c0_i32_2 = arith.constant 0 : i32
    return %c0_i32, %c0_i32_0, %c0_i32_1 : i32, i32, i32
  }
  func.func @transform_3(%arg0: i32) -> (i32, i32) {
    %c0_i32 = arith.constant 0 : i32
    %c0_i32_0 = arith.constant 0 : i32
    %c0_i32_1 = arith.constant 0 : i32
    return %c0_i32, %c0_i32_0 : i32, i32
  }
  func.func @transform_4(%arg0: i32) -> (i32, i32) {
    %c0_i32 = arith.constant 0 : i32
    %c0_i32_0 = arith.constant 0 : i32
    return %arg0, %c0_i32 : i32, i32
  }
}

</mosaic_0001>

<sc_bundles>
// kernel: sparse-core-data-format-call.cloned.1.call-start
scs
called_computation_lowered:
.L_overlay_start_0:
0x0: {  	s2 =	sld [smem:$0x3FD9]  }
0x1: {  	s3 =	sld [smem:$0x3FFE];
	_ =	sdelay $0x1  }
0x2: {  	s1 =	srdreg.scid  }
0x3: {  	s0 =	sand.u32 $0x1, s1  }
0x4: {  	s18 =	sshll.u32 s0, $0xA;
	s2 =	sadd.s32 s3, s2  }
0x5: {  	s2 =	sadd.s32 s2, s18  }
0x6: {  	[smem:$0x3FC3] =	sst s2  }
0x7: {  	_ = 	snop  }
0x8: {  	s2 =	sld [smem:$0x3FD0];
	(tm) =	ssettm $0x1  }
0x9: {  	s19 =	sld [smem:$0x3FFB];
	_ =	sdelay $0x3  }
0xa: {  	_ =	strace s19  }
0xb: {  	s3 =	sld [smem:$0x3FFC];
	_ =	sdelay $0x3  }
0xc: {  	_ =	strace s3  }
0xd: {  	s3 =	sld [smem:$0x3FFD];
	_ =	sdelay $0x3  }
0xe: {  	_ =	strace s3  }
0xf: {  	_ =	strace $0x8FFFFFFF  }
0x10: {  	s20 =	sld [smem:$0x3FDB];
	_ =	sdelay $0x1  }
0x11: {  	s4 =	simm.s32 $_scs_section_size  }
0x12: {  	s5 =	simm.s32 $_size__tile_overlayer_lowered;
	s6 =	simm.s32 $_tile_overlayer_lowered  }
0x13: {  	s23 =	simm.s32 $0x1BFF;
	s22 =	sshll.u32 s6, $0x1;
	s3 =	sadd.s32 s4, s20  }
0x14: {  	s7 =	simm.s32 $0x0;
	s21 =	sshll.u32 s5, $0x1;
	s5 =	sadd.s32 s22, s3  }
0x15: {  	[timem:s7], [sflag:s23] =	dma.local [hbm:s5], s21  }
0x16: {  	_ =	swait.ge [sflag:s23], s21  }
0x17: {  	s4 =	ssub.s32 $0x0, s21;
	[sflag:s23] =	ssyncset.done $0x0  }
0x18: {  	[sflag:s23] =	ssyncadd.s32 s4;
	_ =	sdelay $0x1  }
0x19: {  	s24 =	simm.s32 $0x1B8B  }
0x1a: {  	_ =	swait.ge [sflag:s24], $0x1  }
0x1b: {  	[sflag:s24] =	ssyncset.done $0x0  }
0x1c: {  	s26 =	simm.s32 $0x1B8E;
	s25 =	sld [smem:$0x3FFE];
	[sflag:s24] =	ssyncadd.s32 $0xFFFFFFFF  }
0x1d: {  	s27 =	simm.s32 $execute0_lowered;
	[smem:$0x3FD2] =	sst s26  }
0x1e: {  	s5 =	sshll.u32 s27, $0x1;
	_ =	strace $0x80000046;
	[dreg:$0x1] =	wrdreg $0xFFFFFFFF  }
0x1f: {  	s28 =	simm.s32 $_size_execute0_lowered;
	s3 =	sadd.s32 s3, s5;
	[dreg:$0x0] =	wrdreg $0x0  }
0x20: {  	s5 =	sshll.u32 s28, $0x1;
	[dreg:$0x2] =	wrdreg s3  }
0x21: {  	[dreg:$0x3] =	wrdreg s5  }
0x22: {  	[dreg:$0x4] =	wrdreg $0xC0  }
0x23: {  	_ =	task [dreg:s7], $0x5FFFF  }
0x24: {  	[dreg:$0x1] =	wrdreg $0xFFFFFFFF  }
0x25: {  	[dreg:$0x0] =	wrdreg $0x60  }
0x26: {  	[dreg:$0x2] =	wrdreg s2  }
0x27: {  	[dreg:$0x3] =	wrdreg s25  }
0x28: {  	[dreg:$0x4] =	wrdreg $0x9  }
0x29: {  	_ =	task.clear_ibuf [dreg:s7], $0x5FFFF;
	_ =	strace $0x90000046  }
0x2a: {  	s29 =	simm.s32 $0x9;
	_ =	strace $0x80000048  }
0x2b: {  	_ =	swait.ge [sflag:s29], $0x1  }
0x2c: {  	[sflag:s29] =	ssyncadd.s32 $0xFFFFFFFF  }
0x2d: {  	_ =	strace $0x90000048  }
0x2e: {  	_ =	sfence  }
0x2f: {  	s30 =	sld [smem:$0x0];
	_ =	sdelay $0x2  }
0x30: {  	s31 =	sshll.u32 s1, $0xD;
	s1 =	sshrl.u32 s1, $0x2  }
0x31: {  	s3 =	sand.u32 $0x4000, s31;
	s1 =	sadd.s32 s1, s30  }
0x32: {  	s0 =	sor.u32 s3, s0;
	s1 =	sshll.u32 s1, $0x11  }
0x33: {  	s0 =	sor.u32 s1, s0  }
0x34: {  	s0 =	sadd.s32 $0x8F2B, s0  }
0x35: {  	[sflag:s0] =	ssyncadd.remote.s32 $0x1  }
0x36: {  	_ =	sfence.sel $0xFFFF  }
0x37: {  	[dreg:$0x0] =	wrdreg $0xFFFFFFFF;
	(pc) =	sbr.abs _section_cstart, $3  }
0x38: {  	[dreg:$0x1] =	wrdreg $0xFFFFFFFF  }
0x39: {  	_ =	task.clear_ibuf [dreg:s7], $0x2FFFF;
	_ =	strace $0x9FFFFFFF  }
0x3a: {  	(tm) =	ssettm $0x7FFFFFFF  }
0x3b: {  	_ =	shalt  }
tec
execute0_lowered:
.L_overlay_start_1:
0x0: {  	(tag) =	ssettag $0x1  }
0x1: {  	s2 =	rddreg [dreg:$0x0]  }
0x2: {  	s0 =	srdreg.scid;
	s8 =	rddreg [dreg:$0x1]  }
0x3: {  	s6 =	simm.s32 $0x2;
	s15 =	simm.s32 $0x0;
	s1 =	sshll.u32 s0, $0x4  }
0x4: {  	s9 =	simm.s32 $0x61C00;
	s0 =	stileid.u32;
	s1 =	sand.u32 $0x10, s1  }
0x5: {  	s14 =	simm.s32 $0x0;
	s16 =	simm.s32 $0x0;
	s1 =	sor.u32 s0, s1  }
0x6: {  	s11 =	simm.s32 $0x0;
	s12 =	simm.s32 $0x0;
	s3 =	sshll.u32 s1, $0x7  }
.Ltmp0:
0x7: {  	s13 =	simm.s32 $0x0;
	s4 =	ssub.s32 $0xC300, s3;
	(pc) =	sbr.rel .LBB1_1-.Ltmp0, $4  }
0x8: {  	s1 =	rddreg [dreg:$0x2];
	_ =	strace $0x80000047;
	s5 =	sshrl.u32 s4, $0xC  }
0x9: {  	s10 =	smov.u32 s3;
	s4 =	simm.s32 $0x1;
	s7 =	smul.u32 $0x3, s5  }
0xa: {  	[sflag:s4] =	ssyncpa.u1 $0x0;
	s5 =	sadd.s32 $0x1000, s8;
	s8 =	sadd.s32 $0x93A00, s8  }
0xb: {  	[sflag:s6] =	ssyncpa.u1 $0x0;
	s6 =	sadd.s32 $0x3, s7;
	s7 =	sadd.s32 $0x4, s7  }
.LBB1_7:
0xc: {  	s17 =	sadd.s32 $0x1000, s10  }
0xd: {  	s14 =	sadd.s32 $0x2, s11;
	s18 =	smov.u32 s11;
	p1 =	sgt.s32 s17, $0xC34F  }
0xe: {  	s18 =	smov.u32 @p1 s14  }
0xf: {  	s20 =	smov.u32 s12;
	s14 =	sadd.s32 $0x20, s12;
	p2 =	sgt.s32 s18, $0x1  }
0x10: {  	s20 =	smov.u32 @p2 s14  }
0x11: {  	s17 =	smov.u32 @p1 s3;
	p1 =	sgt.s32 s20, $0x59  }
0x12: {  	p0 =	slt.u32 s13, $0x2;
	s20 =	simm.s32 @p1 $0x0;
	p1 =	sne.s32 s13, s7  }
.Ltmp1:
0x13: {  	s19 =	simm.s32 @!p0 $0x2;
	(pc) =	sbr.rel @!p1 .LBB1_8-.Ltmp1, $4  }
0x14: {  	s15 =	smov.u32 s10;
	_ =	swait.ge @!p0 [sflag:s19], $0x2000  }
0x15: {  	s16 =	smov.u32 s12;
	[sflag:s19] =	ssyncset.done @!p0 $0x0;
	s10 =	smov.u32 s17  }
0x16: {  	s18 =	simm.s32 @p2 $0x0;
	s14 =	smov.u32 s11;
	[sflag:s19] =	ssyncadd.s32 @!p0 $0xFFFFE000  }
0x17: {  	s11 =	smov.u32 s18;
	s13 =	sadd.s32 $0x1, s13;
	s12 =	smov.u32 s20  }
.LBB1_1:
0x18: {  	p0 =	sge.u32 s13, s6;
	s18 =	smov.u32 s12  }
0x19: {  	p1 =	sgt.s32 @!p0 s12, $0x3A;
	s17 =	sshrl.u32 @!p0 s11, $0x1;
	s19 =	sshra.s32 @!p0 s12, $0x1F  }
0x1a: {  	s20 =	sand.u32 @!p0 $0x7F, s10;
	s21 =	sshll.u32 @!p0 s10, $0x1;
	p1 =	por !p1, p0  }
0x1b: {  	s19 =	sand.u32 @!p0 s19, s12;
	s17 =	smul.u32 @!p0 $0x18700, s17;
	s18 =	simm.s32 @p1 $0x3A  }
0x1c: {  	s18 =	ssub.s32 @!p0 s18, s19;
	s19 =	sand.u32 @!p0 $0xFFFFFF00, s21;
	s21 =	sshll.u32 @!p0 s11, $0x7  }
0x1d: {  	s22 =	sadd.s32 @!p0 $0xFFFFFFC6, s18;
	s17 =	sadd.s32 @!p0 s17, s19;
	s19 =	sand.u32 @!p0 $0x80, s21  }
0x1e: {  	s18 =	ssub.s32 @!p0 $0x5A, s18;
	s21 =	smov.u32 s10;
	p1 =	sgt.s32 @!p0 s22, $0x1F  }
0x1f: {  	s17 =	sor.u32 @!p0 s19, s17;
	s19 =	ssub.s32 @!p0 $0x0, s11;
	p1 =	por !p1, p0  }
0x20: {  	s22 =	sshra.s32 @!p0 s10, $0x1F;
	s18 =	simm.s32 @!p1 $0x0;
	p1 =	sgt.s32 @!p0 s10, $0xC300  }
0x21: {  	s20 =	sor.u32 @!p0 s20, s17;
	s19 =	smin.u32 @!p0 s11, s19;
	p1 =	por !p1, p0  }
0x22: {  	s22 =	sand.u32 @!p0 s22, s10;
	s21 =	simm.s32 @p1 $0xC300;
	p1 =	sgt.s32 @!p0 s19, $0x1  }
0x23: {  	s17 =	smulhi.u32 @!p0 $0xA79C7B17, s17;
	s19 =	ssub.s32 @!p0 $0x2, s19;
	p1 =	por !p1, p0  }
0x24: {  	s23 =	smulhi.u32 @!p0 $0xA79C7B17, s20;
	s21 =	ssub.s32 @!p0 s21, s22;
	s19 =	simm.s32 @!p1 $0x0  }
0x25: {  	s18 =	smul.u32 @!p0 s19, s18;
	s19 =	sadd.s32 @!p0 $0xFFFF3D00, s21  }
0x26: {  	s22 =	sxor.u32 @!p0 $0xFFFFFFFF, s13;
	s21 =	ssub.s32 @!p0 $0xC380, s21;
	p1 =	sgt.s32 @!p0 s19, $0x7F  }
0x27: {  	s19 =	sshll.u32 @!p0 s22, $0xD;
	s22 =	sshrl.u32 @!p0 s23, $0xF;
	p1 =	por !p1, p0  }
0x28: {  	s17 =	sshrl.u32 @!p0 s17, $0xF;
	s22 =	smul.u32 @!p0 $0xC380, s22;
	s21 =	simm.s32 @!p1 $0x0  }
0x29: {  	s17 =	sand.u32 @!p0 $0x1, s17;
	s19 =	sand.u32 @!p0 $0x2000, s19;
	s18 =	smul.u32 @!p0 s21, s18  }
0x2a: {  	p1 =	seq.s32 @!p0 s17, $0x1;
	s20 =	ssub.s32 @!p0 s20, s22;
	s21 =	smul.u32 @!p0 $0x30E0, s12  }
0x2b: {  	p1 =	por !p1, p0;
	s17 =	sand.u32 @!p0 $0x3FFFFFFF, s18;
	s18 =	simm.s32 @!p0 $0x1870  }
0x2c: {  	s22 =	sand.u32 @!p0 $0x7, s20;
	s21 =	sadd.s32 @!p0 s2, s21;
	s18 =	simm.s32 @p1 $0x0  }
0x2d: {  	s20 =	sshrl.u32 @!p0 s20, $0x3;
	s18 =	sadd.s32 @!p0 s18, s21;
	s21 =	sshll.u32 @!p0 s22, $0x12  }
0x2e: {  	s18 =	sadd.s32 @!p0 s20, s18;
	s20 =	sor.u32 @!p0 $0x100, s21;
	s21 =	simm.s32 @!p0 $0x18700  }
0x2f: {  	[tilespmem:s19], [sflag:$0x1] =	stream.strided.gather @!p0 [hbm4b:s18+s20], s17, s21, s20, $0x38;
	[tilespmem:$0x8000] =	vst v63  }
0x30: {  	p0 =	seq.s32 s13, $0x0  }
0x31: {  	p1 =	sge.u32 @!p0 s13, s7  }
0x32: {  	p0 =	por p0, p1  }
.Ltmp2:
0x33: {  	_ = 	snop;
	(pc) =	sbr.rel @p0 .LBB1_7-.Ltmp2, $1  }
0x34: {  	_ =	sdelay $0x3  }
0x35: {  	p0 =	sgt.s32 s16, $0x3A  }
0x36: {  	s17 =	smov.u32 s16;
	s18 =	sshra.s32 s16, $0x1F;
	s29 =	ssub.s32 $0x0, s14  }
0x37: {  	p1 =	sgt.s32 s15, $0xC300;
	s17 =	simm.s32 @!p0 $0x3A;
	s18 =	sand.u32 s18, s16  }
0x38: {  	s19 =	smov.u32 s15;
	s20 =	sshra.s32 s15, $0x1F;
	s17 =	ssub.s32 s17, s18  }
0x39: {  	s19 =	simm.s32 @!p1 $0xC300;
	s20 =	sand.u32 s20, s15;
	s18 =	sadd.s32 $0xFFFFFFC6, s17  }
0x3a: {  	s19 =	ssub.s32 s19, s20;
	p0 =	sgt.s32 s18, $0x1F;
	s18 =	smin.u32 s14, s29  }
0x3b: {  	s17 =	ssub.s32 $0x5A, s17;
	p1 =	sgt.s32 s18, $0x1;
	s18 =	ssub.s32 $0x2, s18  }
0x3c: {  	s20 =	sadd.s32 $0xFFFF3D00, s19;
	s17 =	simm.s32 @p0 $0x0;
	s18 =	simm.s32 @p1 $0x0  }
0x3d: {  	p0 =	sgt.s32 s20, $0x7F;
	s17 =	smul.u32 s18, s17;
	s18 =	ssub.s32 $0xC380, s19  }
0x3e: {  	s18 =	simm.s32 @p0 $0x0  }
0x3f: {  	s17 =	smul.u32 s18, s17;
	_ =	sdelay $0x1  }
0x40: {  	s17 =	sand.u32 $0x3FFFFFFF, s17  }
0x41: {  	s30 =	sshll.u32 s13, $0xD;
	_ =	swait.ge [sflag:s4], s17  }
0x42: {  	s31 =	ssub.s32 $0x0, s17;
	s17 =	sand.u32 $0x2000, s30;
	[sflag:s4] =	ssyncset.done $0x0  }
0x43: {  	s19 =	simm.s32 $0x0;
	s18 =	sor.u32 $0x4000, s17;
	[sflag:s4] =	ssyncadd.s32 s31  }
.LBB1_3:
0x44: {  	s20 =	sshll.u32 s19, $0x8  }
0x45: {  	s20 =	sand.u32 $0x3FFFFF00, s20  }
0x46: {  	s21 =	sshll.u32 s19, $0x7;
	s20 =	sadd.s32 s20, s17  }
0x47: {  	s21 =	sand.u32 $0x3FFFFF80, s21;
	v0 =	vmov s20  }
0x48: {  	s21 =	sadd.s32 s21, s18  }
0x49: {  	p0 =	por $0x1, $0x1;
	v1 =	vmov s21;
	s20 =	simm.s32 $0x0  }
.LBB1_4:
0x4a: {  	s21 =	sshll.u32 s20, $0x7  }
0x4b: {  	s21 =	sand.u32 $0x3FFFFF80, s21  }
0x4c: {  	v2 =	vld.idx.msk [tilespmem:v0+s21+$0x0 ss:$0x1], $0xffff  }
0x4d: {  	v3 =	vld.idx.msk [tilespmem:v0+s21+$0x10 ss:$0x1], $0xffff  }
0x4e: {  	v4 =	vld.idx.msk [tilespmem:v0+s21+$0x20 ss:$0x1], $0xffff  }
0x4f: {  	s31 =	sshll.u32 s20, $0xC;
	v5 =	vld.idx.msk [tilespmem:v0+s21+$0x30 ss:$0x1], $0xffff  }
0x50: {  	s20 =	sand.u32 $0x3FFFF000, s31;
	v6 =	vld.idx.msk [tilespmem:v0+s21+$0x40 ss:$0x1], $0xffff  }
0x51: {  	v63 =	vld.idx.msk [tilespmem:v0+s21+$0x70 ss:$0x1], $0xffff;
	[tilespmem:v1+s20+$0x0 ss:$0x1] =	vst.idx.msk $0xffff, v2  }
0x52: {  	v2 =	vld.idx.msk [tilespmem:v0+s21+$0x50 ss:$0x1], $0xffff;
	[tilespmem:v1+s20+$0x10 ss:$0x1] =	vst.idx.msk $0xffff, v3  }
0x53: {  	p1 =	por p0, p0;
	v3 =	vld.idx.msk [tilespmem:v0+s21+$0x60 ss:$0x1], $0xffff;
	[tilespmem:v1+s20+$0x20 ss:$0x1] =	vst.idx.msk $0xffff, v4  }
.Ltmp3:
0x54: {  	[tilespmem:v1+s20+$0x30 ss:$0x1] =	vst.idx.msk $0xffff, v5;
	(pc) =	sbr.rel @p1 .LBB1_4-.Ltmp3, $4  }
0x55: {  	[tilespmem:v1+s20+$0x40 ss:$0x1] =	vst.idx.msk $0xffff, v6  }
0x56: {  	[tilespmem:v1+s20+$0x70 ss:$0x1] =	vst.idx.msk $0xffff, v63  }
0x57: {  	[tilespmem:v1+s20+$0x50 ss:$0x1] =	vst.idx.msk $0xffff, v2  }
0x58: {  	p0 =	por $0x0, $0x0;
	[tilespmem:v1+s20+$0x60 ss:$0x1] =	vst.idx.msk $0xffff, v3;
	s20 =	simm.s32 $0x1  }
0x59: {  	s19 =	sadd.s32 $0x1, s19  }
0x5a: {  	p0 =	sne.s32 s19, $0x20  }
.Ltmp4:
0x5b: {  	_ = 	snop;
	(pc) =	sbr.rel @p0 .LBB1_3-.Ltmp4, $1  }
0x5c: {  	_ =	sdelay $0x3  }
0x5d: {  	s19 =	sshrl.u32 s16, $0x3  }
0x5e: {  	s20 =	sshll.u32 s15, $0x3;
	s19 =	smul.u32 $0x61C00, s19  }
0x5f: {  	s25 =	sshll.u32 s16, $0x7;
	s20 =	sand.u32 $0xFFFFFC00, s20  }
0x60: {  	s16 =	sand.u32 $0x380, s25;
	s19 =	sadd.s32 s19, s20  }
0x61: {  	s16 =	sor.u32 s16, s19  }
0x62: {  	s26 =	sand.u32 $0x7F, s15;
	s19 =	smulhi.u32 $0xA79C7B17, s16  }
0x63: {  	s15 =	sor.u32 s26, s16  }
0x64: {  	s16 =	smulhi.u32 $0xA79C7B17, s15;
	s19 =	sshrl.u32 s19, $0xF  }
0x65: {  	s27 =	smulhi.u32 $0x2AAAAAB, s19  }
0x66: {  	s14 =	smul.u32 $0x92A00, s14  }
0x67: {  	s16 =	sshrl.u32 s16, $0xF;
	s20 =	smul.u32 $0x60, s27  }
0x68: {  	s16 =	smul.u32 $0xC380, s16  }
0x69: {  	s19 =	ssub.s32 s19, s20  }
0x6a: {  	s29 =	sadd.s32 s5, s14;
	s15 =	ssub.s32 s15, s16;
	s28 =	smul.u32 $0x1870, s19  }
0x6b: {  	s14 =	sadd.s32 s14, s8;
	s30 =	sand.u32 $0x7, s15;
	s15 =	sshrl.u32 s15, $0x3  }
.Ltmp5:
0x6c: {  	s20 =	sshll.u32 s30, $0x12;
	s19 =	sadd.s32 s28, s29;
	(pc) =	sbr.rel .LBB1_7-.Ltmp5, $4  }
0x6d: {  	s20 =	sor.u32 $0x400, s20;
	s14 =	sadd.s32 s28, s14;
	s19 =	sadd.s32 s15, s19  }
0x6e: {  	[hbm4b:s19+s20] =	stream.strided.scatter [tilespmem:s18], [sflag:$0x2], $0x1000, s9, s20, $0x38;
	[tilespmem:$0x8000] =	vst v63  }
0x6f: {  	s31 =	sadd.s32 $0x5000, s17;
	s14 =	sadd.s32 s15, s14  }
0x70: {  	[hbm4b:s14+s20] =	stream.strided.scatter [tilespmem:s31], [sflag:$0x2], $0x1000, s9, s20, $0x38;
	[tilespmem:$0x8000] =	vst v63  }
.LBB1_8:
0x71: {  	_ =	sfence.sel $0x180000  }
0x72: {  	s2 =	simm.s32 $0x1;
	[bflag:$0x0] =	sbarrier.arrive $0xFFFF  }
0x73: {  	s31 =	simm.s32 $0x2;
	[sflag:s2] =	ssyncpa.u1 $0x1  }
0x74: {  	[sflag:s31] =	ssyncpa.u1 $0x1  }
0x75: {  	p0 =	sne.s32 s0, $0x0;
	_ =	strace $0x90000047  }
0x76: {  	s0 =	sadd.s32 @!p0 $0x100000, s1;
	[bflag:$0x2] =	sbarrier.arrive $0xFFFF  }
0x77: {  	[sflag:s0] =	ssyncadd.tile.s32 @!p0 $0x1;
	_ =	shalt  }
.Lfunc_end1:
_tile_overlayer_lowered:
.L_overlay_start_2:
0x78: {  	(tag) =	ssettag $0x2  }
0x79: {  	s0 =	rddreg [dreg:$0x0];
	s2 =	stileid.u32  }
0x7a: {  	s1 =	rddreg [dreg:$0x1];
	p0 =	sne.s32 s2, $0x0  }
0x7b: {  	s3 =	rddreg [dreg:$0x2];
	[bflag:$0x3] =	sbarrier.arrive $0xFFFF;
	s2 =	simm.s32 @!p0 $0x1C01  }
0x7c: {  	[timem:s3], [sflag:s2] =	dma.local @!p0 [hbm:s0], s1  }
0x7d: {  	s0 =	simm.s32 @!p0 $0x1  }
0x7e: {  	_ =	swait.ge @!p0 [sflag:s0], s1  }
0x7f: {  	s1 =	ssub.s32 @!p0 $0x0, s1;
	[sflag:s0] =	ssyncset.done @!p0 $0x0  }
0x80: {  	[sflag:s0] =	ssyncadd.s32 @!p0 s1  }
0x81: {  	[bflag:$0x3] =	sbarrier.arrive $0xFFFF  }
0x82: {  	_ =	shalt  }

</sc_bundles>
